<compile_context>
chip_gen: v7x
topology: tpu7x:2x2x1
jax: 0.10.2.dev20260603
libtpu: 0.0.44.dev20260713+nightly
codegen_flags: <defaults>
</compile_context>

<pallas_src>
import jax
import jax.numpy as jnp
from jax.experimental import pallas as pl
from jax.experimental.pallas import tpu as pltpu

N, I, O, B, T = 2048, 1024, 1024, 8, 16
CH = 65536
NSTEP = (O * I) // CH


def _combine_kernel(g_ref, wf_ref, m_ref):
    g = g_ref[...]
    g_max = jnp.max(g, axis=-1, keepdims=True)
    e = jnp.exp(g - g_max)
    probs = (e / jnp.sum(e, axis=-1, keepdims=True)).astype(jnp.bfloat16)
    w = wf_ref[...].astype(jnp.bfloat16)
    m = jax.lax.dot_general(probs, w, (((1,), (0,)), ((), ())),
                            preferred_element_type=jnp.float32)
    m_ref[...] = m.astype(jnp.bfloat16)


def kernel(iput, emb, weights, g_logits, W_blocks, b_blocks):
    wf = W_blocks.reshape(B, O * I)
    m = pl.pallas_call(
        _combine_kernel,
        grid=(NSTEP,),
        in_specs=[
            pl.BlockSpec((T, B), lambda s: (0, 0)),
            pl.BlockSpec((B, CH), lambda s: (0, s)),
        ],
        out_specs=pl.BlockSpec((T, CH), lambda s: (0, s)),
        out_shape=jax.ShapeDtypeStruct((T, O * I), jnp.bfloat16),
    )(g_logits, wf)
    return m

# --- scband reference (transcript-rebuilt; emitter-appended) ---
"""Pipeline reference for scband-gated-layer-33835752358459 (READ-ONLY COPY).

The authoritative reference and input builder live on the scoring server;
editing this copy changes nothing except your own understanding.
"""

import jax, jax.numpy as jnp
import numpy as np

# GatedLayer (dense soft-gated MoE):
#  - 8 expert blocks = Linear(1024,1024)
#  - gate logits g_logits[task_count=16, n_blocks=8] gathered per-token via emb
#  - get_choices (abstract in source) instantiated as deterministic softmax gate:
#      b = softmax(g_logits), new_log_probs = log(max prob), new_extra_loss = 0.0
#  - sparse=False branch: run every block, weight by b, sum over blocks

def setup_inputs(seed: int = 0) -> dict:
    key = jax.random.key(seed)
    k1, k2, k3, k4, k5, k6 = jax.random.split(key, 6)
    N, I, O, B, T = 2048, 1024, 1024, 8, 16
    iput = jax.random.normal(k1, (N, I), dtype=jnp.float32)
    emb = jax.random.randint(k2, (N, 1), 0, T)  # per-token task id, int64-like
    weights = jax.random.normal(k3, (T, B), dtype=jnp.float32)      # self.weights param
    g_logits = jax.random.normal(k4, (T, B), dtype=jnp.float32)     # self.g_logits param
    W_blocks = jax.random.normal(k5, (B, O, I), dtype=jnp.float32) * (1.0 / np.sqrt(I))
    b_blocks = jax.random.normal(k6, (B, O), dtype=jnp.float32) * 0.01
    return {"iput": iput, "emb": emb, "weights": weights, "g_logits": g_logits,
            "W_blocks": W_blocks, "b_blocks": b_blocks}


def reference(iput, emb, weights, g_logits, W_blocks, b_blocks):
    N = iput.shape[0]
    # get_g_logits: gather rows of g_logits by emb -> [N, E_emb, B] -> reshape [N, E_emb*B]
    g_sel = jnp.take(g_logits, emb, axis=0).reshape(N, -1)   # [N, B] since emb width = 1
    # get_weight (computed in forward, faithful even though unused downstream)
    w_sel = jnp.take(weights, emb, axis=0).reshape(N, -1)    # [N, B]
    # get_choices: deterministic softmax gate instantiation
    probs = jax.nn.softmax(g_sel, axis=-1)                   # b: [N, B]
    new_log_probs = jnp.log(jnp.max(probs, axis=-1) + 1e-9)  # [N]
    new_extra_loss = 0.0
    # dense branch: run all blocks: [N, B, O]
    out_blocks = jnp.einsum('ni,boi->nbo', iput, W_blocks) + b_blocks[None, :, :]
    output = out_blocks * probs[:, :, None]
    out = output.sum(axis=1)                                 # [N, O]
    log_probs = 0.0 + new_log_probs
    extra_loss = 0.0 + new_extra_loss
    return (out, log_probs, extra_loss)

if __name__ == "__main__":
    import jax
    _d = setup_inputs()
    print(jax.jit(kernel)(*tuple(_d.values())))

</pallas_src>

<mosaic_0001>
module attributes {stable_mosaic.version = 14 : i64} {
  func.func @_combine_kernel(%arg0: i32, %arg1: memref<16x8xf32, #tpu.memory_space<vmem>>, %arg2: memref<8x65536xf32, #tpu.memory_space<vmem>>, %arg3: memref<16x65536xbf16, #tpu.memory_space<vmem>>) attributes {dimension_semantics = [#tpu.dimension_semantics<arbitrary>], iteration_bounds = array<i64: 16>, scalar_prefetch = 0 : i64, scratch_operands = 0 : i64, tpu.core_type = #tpu.core_type<tc>, window_params = [{pipeline_mode = #tpu.pipeline_mode<synchronous>, transform_indices = @transform_0, window_bounds = array<i64: 16, 8>}, {transform_indices = @transform_1, window_bounds = array<i64: 8, 65536>}, {transform_indices = @transform_2, window_bounds = array<i64: 16, 65536>}]} {
    %get3A = arith.constant 0 : index
    %get3A_0 = arith.constant 0 : index
    %get3A_1 = vector.load %arg1[%get3A, %get3A_0] : memref<16x8xf32, #tpu.memory_space<vmem>>, vector<16x8xf32>
    %reduce_max3A = arith.constant dense<0xFF800000> : vector<16xf32>
    %reduce_max3A_2 = vector.multi_reduction <maximumf>, %get3A_1, %reduce_max3A [1] : vector<16x8xf32> to vector<16xf32>
    %broadcast_in_dim3A = vector.shape_cast %reduce_max3A_2 : vector<16xf32> to vector<16x1xf32>
    %sub3A = vector.broadcast %broadcast_in_dim3A : vector<16x1xf32> to vector<16x8xf32>
    %sub3A_3 = arith.subf %get3A_1, %sub3A : vector<16x8xf32>
    %exp3A = math.exp %sub3A_3 : vector<16x8xf32>
    %reduce_sum3A = arith.constant dense<0.000000e+00> : vector<16xf32>
    %reduce_sum3A_4 = vector.multi_reduction <add>, %exp3A, %reduce_sum3A [1] : vector<16x8xf32> to vector<16xf32>
    %broadcast_in_dim3A_5 = vector.shape_cast %reduce_sum3A_4 : vector<16xf32> to vector<16x1xf32>
    %div3A = vector.broadcast %broadcast_in_dim3A_5 : vector<16x1xf32> to vector<16x8xf32>
    %div3A_6 = arith.divf %exp3A, %div3A : vector<16x8xf32>
    %convert_element_type3A = arith.truncf %div3A_6 : vector<16x8xf32> to vector<16x8xbf16>
    %get3A_7 = arith.constant 0 : index
    %get3A_8 = arith.constant 0 : index
    %get3A_9 = vector.load %arg2[%get3A_7, %get3A_8] : memref<8x65536xf32, #tpu.memory_space<vmem>>, vector<8x65536xf32>
    %convert_element_type3A_10 = arith.truncf %get3A_9 : vector<8x65536xf32> to vector<8x65536xbf16>
    %dot_general3A = arith.constant dense<0.000000e+00> : vector<16x65536xf32>
    %dot_general3A_11 = tpu.matmul %convert_element_type3A, %convert_element_type3A_10, %dot_general3A {dimension_numbers = #tpu.dot_dimension_numbers<[1], [0], [0], [1], [0, 0, 1, 1], [], []>, transpose_lhs_hint = false} : vector<16x8xbf16>, vector<8x65536xbf16>, vector<16x65536xf32> -> vector<16x65536xf32>
    %convert_element_type3A_12 = arith.truncf %dot_general3A_11 : vector<16x65536xf32> to vector<16x65536xbf16>
    %swap3A = arith.constant 0 : index
    %swap3A_13 = arith.constant 0 : index
    %swap3A_14 = vector.load %arg3[%swap3A, %swap3A_13] : memref<16x65536xbf16, #tpu.memory_space<vmem>>, vector<16x65536xbf16>
    tpu.vector_store %arg3[%swap3A, %swap3A_13], %convert_element_type3A_12 {strides = array<i32>} : memref<16x65536xbf16, #tpu.memory_space<vmem>>, vector<16x65536xbf16>,
    return
  }
  func.func @transform_0(%arg0: i32) -> (i32, i32) {
    %c0_i32 = arith.constant 0 : i32
    %c0_i32_0 = arith.constant 0 : i32
    %c0_i32_1 = arith.constant 0 : i32
    return %c0_i32, %c0_i32_0 : i32, i32
  }
  func.func @transform_1(%arg0: i32) -> (i32, i32) {
    %c0_i32 = arith.constant 0 : i32
    %c0_i32_0 = arith.constant 0 : i32
    return %c0_i32, %arg0 : i32, i32
  }
  func.func @transform_2(%arg0: i32) -> (i32, i32) {
    %c0_i32 = arith.constant 0 : i32
    %c0_i32_0 = arith.constant 0 : i32
    return %c0_i32, %arg0 : i32, i32
  }
}

</mosaic_0001>

<sc_bundles>
// kernel: sparse-core-data-format-call.cloned.1.call-start
scs
called_computation_lowered:
.L_overlay_start_0:
0x0: {  	s2 =	sld [smem:$0x3FD9]  }
0x1: {  	s3 =	sld [smem:$0x3FFE];
	_ =	sdelay $0x1  }
0x2: {  	s1 =	srdreg.scid  }
0x3: {  	s0 =	sand.u32 $0x1, s1  }
0x4: {  	s18 =	sshll.u32 s0, $0xA;
	s2 =	sadd.s32 s3, s2  }
0x5: {  	s2 =	sadd.s32 s2, s18  }
0x6: {  	[smem:$0x3FC6] =	sst s2  }
0x7: {  	_ = 	snop  }
0x8: {  	s2 =	sld [smem:$0x3FC8];
	(tm) =	ssettm $0x1  }
0x9: {  	s19 =	sld [smem:$0x3FFB];
	_ =	sdelay $0x3  }
0xa: {  	_ =	strace s19  }
0xb: {  	s3 =	sld [smem:$0x3FFC];
	_ =	sdelay $0x3  }
0xc: {  	_ =	strace s3  }
0xd: {  	s3 =	sld [smem:$0x3FFD];
	_ =	sdelay $0x3  }
0xe: {  	_ =	strace s3  }
0xf: {  	_ =	strace $0x8FFFFFFF  }
0x10: {  	s20 =	sld [smem:$0x3FDB];
	_ =	sdelay $0x1  }
0x11: {  	s4 =	simm.s32 $_scs_section_size  }
0x12: {  	s5 =	simm.s32 $_size__tile_overlayer_lowered;
	s6 =	simm.s32 $_tile_overlayer_lowered  }
0x13: {  	s23 =	simm.s32 $0x1BFF;
	s22 =	sshll.u32 s6, $0x1;
	s3 =	sadd.s32 s4, s20  }
0x14: {  	s7 =	simm.s32 $0x0;
	s21 =	sshll.u32 s5, $0x1;
	s5 =	sadd.s32 s22, s3  }
0x15: {  	[timem:s7], [sflag:s23] =	dma.local [hbm:s5], s21  }
0x16: {  	_ =	swait.ge [sflag:s23], s21  }
0x17: {  	s4 =	ssub.s32 $0x0, s21;
	[sflag:s23] =	ssyncset.done $0x0  }
0x18: {  	[sflag:s23] =	ssyncadd.s32 s4;
	_ =	sdelay $0x1  }
0x19: {  	s24 =	simm.s32 $0x1B8B  }
0x1a: {  	_ =	swait.ge [sflag:s24], $0x1  }
0x1b: {  	[sflag:s24] =	ssyncset.done $0x0  }
0x1c: {  	s26 =	simm.s32 $0x1B8E;
	s25 =	sld [smem:$0x3FFE];
	[sflag:s24] =	ssyncadd.s32 $0xFFFFFFFF  }
0x1d: {  	s27 =	simm.s32 $execute0_lowered;
	[smem:$0x3FD2] =	sst s26  }
0x1e: {  	s5 =	sshll.u32 s27, $0x1;
	_ =	strace $0x80000046;
	[dreg:$0x1] =	wrdreg $0xFFFFFFFF  }
0x1f: {  	s28 =	simm.s32 $_size_execute0_lowered;
	s3 =	sadd.s32 s3, s5;
	[dreg:$0x0] =	wrdreg $0x0  }
0x20: {  	s5 =	sshll.u32 s28, $0x1;
	[dreg:$0x2] =	wrdreg s3  }
0x21: {  	[dreg:$0x3] =	wrdreg s5  }
0x22: {  	[dreg:$0x4] =	wrdreg $0xC0  }
0x23: {  	_ =	task [dreg:s7], $0x5FFFF  }
0x24: {  	[dreg:$0x1] =	wrdreg $0xFFFFFFFF  }
0x25: {  	[dreg:$0x0] =	wrdreg $0x60  }
0x26: {  	[dreg:$0x2] =	wrdreg s2  }
0x27: {  	[dreg:$0x3] =	wrdreg s25  }
0x28: {  	[dreg:$0x4] =	wrdreg $0x9  }
0x29: {  	_ =	task.clear_ibuf [dreg:s7], $0x5FFFF;
	_ =	strace $0x90000046  }
0x2a: {  	s29 =	simm.s32 $0x9;
	_ =	strace $0x80000048  }
0x2b: {  	_ =	swait.ge [sflag:s29], $0x1  }
0x2c: {  	[sflag:s29] =	ssyncadd.s32 $0xFFFFFFFF  }
0x2d: {  	_ =	strace $0x90000048  }
0x2e: {  	_ =	sfence  }
0x2f: {  	s30 =	sld [smem:$0x0];
	_ =	sdelay $0x2  }
0x30: {  	s31 =	sshll.u32 s1, $0xD;
	s1 =	sshrl.u32 s1, $0x2  }
0x31: {  	s3 =	sand.u32 $0x4000, s31;
	s1 =	sadd.s32 s1, s30  }
0x32: {  	s0 =	sor.u32 s3, s0;
	s1 =	sshll.u32 s1, $0x11  }
0x33: {  	s0 =	sor.u32 s1, s0  }
0x34: {  	s0 =	sadd.s32 $0x8F2B, s0  }
0x35: {  	[sflag:s0] =	ssyncadd.remote.s32 $0x1  }
0x36: {  	_ =	sfence.sel $0xFFFF  }
0x37: {  	[dreg:$0x0] =	wrdreg $0xFFFFFFFF;
	(pc) =	sbr.abs _section_cstart, $3  }
0x38: {  	[dreg:$0x1] =	wrdreg $0xFFFFFFFF  }
0x39: {  	_ =	task.clear_ibuf [dreg:s7], $0x2FFFF;
	_ =	strace $0x9FFFFFFF  }
0x3a: {  	(tm) =	ssettm $0x7FFFFFFF  }
0x3b: {  	_ =	shalt  }
tec
execute0_lowered:
.L_overlay_start_1:
0x0: {  	(tag) =	ssettag $0x1  }
0x1: {  	s0 =	stileid.u32;
	s1 =	srdreg.scid  }
0x2: {  	s4 =	rddreg [dreg:$0x1];
	s7 =	simm.s32 $0x1;
	s31 =	simm.s32 $0x2  }
0x3: {  	s15 =	simm.s32 $0x0;
	s2 =	sshll.u32 s0, $0x4;
	s1 =	sshll.u32 s1, $0x8  }
0x4: {  	s9 =	simm.s32 $0x2000;
	s10 =	simm.s32 $0x0;
	s1 =	sor.u32 s2, s1  }
0x5: {  	s16 =	simm.s32 $0x0;
	s17 =	simm.s32 $0x0;
	s3 =	sand.u32 $0x180, s1  }
0x6: {  	s11 =	simm.s32 $0x0;
	s14 =	simm.s32 $0x0;
	s5 =	ssub.s32 $0x400, s3  }
0x7: {  	s4 =	sadd.s32 $0x600, s4;
	s2 =	rddreg [dreg:$0x0];
	s6 =	sand.u32 $0x180, s5  }
.Ltmp0:
0x8: {  	s1 =	rddreg [dreg:$0x2];
	p0 =	sne.s32 s6, $0x0;
	(pc) =	sbr.rel .LBB1_1-.Ltmp0, $4  }
0x9: {  	_ =	strace $0x80000047;
	s8 =	sshrl.u32 s5, $0x9;
	s7 =	simm.s32 @!p0 $0x0  }
0xa: {  	s12 =	smov.u32 s3;
	s6 =	simm.s32 $0x1;
	s7 =	sadd.s32 s7, s8  }
0xb: {  	s5 =	sand.u32 $0x7, s0;
	[sflag:s6] =	ssyncpa.u1 $0x0;
	s7 =	sshll.u32 s7, $0x3  }
0xc: {  	s13 =	smov.u32 s5;
	[sflag:s31] =	ssyncpa.u1 $0x0;
	s8 =	sor.u32 $0x1, s7  }
.LBB1_4:
0xd: {  	_ =	sdelay $0x3  }
0xe: {  	[tilespmem:v0+s20+$0xFFFFFFA0 ss:$0x1] =	vst.idx.msk $0xffff, v6  }
0xf: {  	v56 =	vld.idx.msk [tilespmem:v1+s19+$0x30 ss:$0x1], $0xffff;
	[tilespmem:v0+s20+$0xFFFFFFB0 ss:$0x1] =	vst.idx.msk $0xffff, v4  }
0x10: {  	v57 =	vld.idx.msk [tilespmem:v1+s19+$0xFFFFFFC0 ss:$0x1], $0xffff;
	[tilespmem:v0+s20+$0xFFFFFFC0 ss:$0x1] =	vst.idx.msk $0xffff, v2  }
0x11: {  	v58 =	vld.idx.msk [tilespmem:v1+s19+$0xFFFFFFD0 ss:$0x1], $0xffff;
	[tilespmem:v0+s20+$0xFFFFFFD0 ss:$0x1] =	vst.idx.msk $0xffff, v3  }
0x12: {  	v59 =	vld.idx.msk [tilespmem:v1+s19+$0xFFFFFFE0 ss:$0x1], $0xffff;
	[tilespmem:v0+s20+$0xFFFFFFE0 ss:$0x1] =	vst.idx.msk $0xffff, v5  }
0x13: {  	v60 =	vld.idx.msk [tilespmem:v1+s19+$0xFFFFFFF0 ss:$0x1], $0xffff;
	[tilespmem:v0+s20+$0xFFFFFFF0 ss:$0x1] =	vst.idx.msk $0xffff, v7  }
0x14: {  	v61 =	vld.idx.msk [tilespmem:v1+s19+$0x0 ss:$0x1], $0xffff;
	[tilespmem:v0+s19+$0x0 ss:$0x1] =	vst.idx.msk $0xffff, v56  }
0x15: {  	v62 =	vld.idx.msk [tilespmem:v1+s19+$0x10 ss:$0x1], $0xffff;
	[tilespmem:v0+s19+$0xFFFFFF90 ss:$0x1] =	vst.idx.msk $0xffff, v57  }
0x16: {  	v63 =	vld.idx.msk [tilespmem:v1+s19+$0x20 ss:$0x1], $0xffff;
	[tilespmem:v0+s19+$0xFFFFFFA0 ss:$0x1] =	vst.idx.msk $0xffff, v58  }
0x17: {  	s17 =	sshll.u32 s17, $0x7;
	s29 =	sand.u32 $0x78, s15;
	[tilespmem:v0+s19+$0xFFFFFFB0 ss:$0x1] =	vst.idx.msk $0xffff, v59  }
0x18: {  	s16 =	sshll.u32 s16, $0xA;
	s30 =	sand.u32 $0x380, s15;
	s17 =	sand.u32 $0x380, s17;
	[tilespmem:v0+s19+$0xFFFFFFC0 ss:$0x1] =	vst.idx.msk $0xffff, v60  }
0x19: {  	s31 =	sand.u32 $0x7, s15;
	s16 =	sadd.s32 s4, s16;
	s17 =	sor.u32 s17, s29;
	[tilespmem:v0+s19+$0xFFFFFFD0 ss:$0x1] =	vst.idx.msk $0xffff, v61  }
0x1a: {  	s15 =	sshll.u32 s31, $0x12;
	s16 =	sadd.s32 s30, s16;
	s17 =	sshrl.u32 s17, $0x3;
	[tilespmem:v0+s19+$0xFFFFFFE0 ss:$0x1] =	vst.idx.msk $0xffff, v62  }
0x1b: {  	s15 =	sor.u32 $0x80, s15;
	s16 =	sadd.s32 s17, s16;
	[tilespmem:v0+s19+$0xFFFFFFF0 ss:$0x1] =	vst.idx.msk $0xffff, v63  }
0x1c: {  	[hbm4b:s16+s15] =	stream.strided.scatter [tilespmem:s18], [sflag:$0x2], $0x4000, s9, s15, $0x38;
	[tilespmem:$0x10000] =	vst v63  }
.LBB1_5:
0x1d: {  	s18 =	sadd.s32 $0x80, s11  }
0x1e: {  	s15 =	sadd.s32 $0x200, s12;
	s19 =	smov.u32 s12;
	p1 =	sgt.s32 s18, $0x3FF  }
0x1f: {  	s19 =	smov.u32 @p1 s15  }
0x20: {  	s21 =	smov.u32 s13;
	s15 =	sadd.s32 $0x8, s13;
	p2 =	sgt.s32 s19, $0x3FF  }
0x21: {  	s21 =	smov.u32 @p2 s15  }
0x22: {  	s18 =	simm.s32 @p1 $0x0;
	p1 =	sgt.s32 s21, $0x7  }
0x23: {  	p0 =	slt.u32 s14, $0x2;
	s21 =	smov.u32 @p1 s5;
	p1 =	sne.s32 s14, s8  }
.Ltmp1:
0x24: {  	s20 =	simm.s32 @!p0 $0x2;
	(pc) =	sbr.rel @!p1 .LBB1_6-.Ltmp1, $4  }
0x25: {  	s16 =	smov.u32 s12;
	s17 =	smov.u32 s13;
	_ =	swait.ge @!p0 [sflag:s20], $0x4000  }
0x26: {  	s10 =	sadd.s32 $0x4000, s10;
	[sflag:s20] =	ssyncset.done @!p0 $0x0;
	s19 =	smov.u32 @p2 s3  }
0x27: {  	s15 =	smov.u32 s11;
	[sflag:s20] =	ssyncadd.s32 @!p0 $0xFFFFC000;
	s11 =	smov.u32 s18  }
0x28: {  	s12 =	smov.u32 s19;
	s14 =	sadd.s32 $0x1, s14;
	s13 =	smov.u32 s21  }
.LBB1_1:
0x29: {  	p0 =	sge.u32 s14, s7  }
0x2a: {  	s31 =	sadd.s32 $0xFFFFFFFF, s14;
	s18 =	sshll.u32 @!p0 s12, $0x7  }
0x2b: {  	s19 =	sxor.u32 @!p0 $0xFFFFFFFF, s14;
	s20 =	sand.u32 @!p0 $0x78, s11;
	s21 =	sand.u32 @!p0 $0x380, s18  }
0x2c: {  	s19 =	sshll.u32 @!p0 s19, $0xE;
	s20 =	sor.u32 @!p0 s20, s21;
	s21 =	sshll.u32 @!p0 s13, $0x11  }
0x2d: {  	s18 =	sand.u32 @!p0 $0x1FC00, s18;
	s20 =	sshrl.u32 @!p0 s20, $0x3;
	s21 =	sadd.s32 @!p0 s2, s21  }
0x2e: {  	s18 =	sadd.s32 @!p0 s11, s18;
	s20 =	sadd.s32 @!p0 s20, s21;
	s21 =	sand.u32 @!p0 $0x7, s11  }
0x2f: {  	s19 =	sand.u32 @!p0 $0x4000, s19;
	s18 =	sand.u32 @!p0 $0x1FF80, s18;
	s21 =	sshll.u32 @!p0 s21, $0x12  }
0x30: {  	s18 =	sadd.s32 @!p0 s18, s20;
	s20 =	sor.u32 @!p0 $0x400, s21;
	s21 =	simm.s32 @!p0 $0x2000  }
0x31: {  	[tilespmem:s19], [sflag:$0x1] =	stream.strided.gather @!p0 [hbm4b:s18+s20], $0x4000, s21, s20, $0x38;
	[tilespmem:$0x10000] =	vst v63  }
0x32: {  	p0 =	sge.u32 s31, s7  }
.Ltmp2:
0x33: {  	_ = 	snop;
	(pc) =	sbr.rel @p0 .LBB1_5-.Ltmp2, $1  }
0x34: {  	_ =	sdelay $0x3  }
0x35: {  	s18 =	sand.u32 $0x4000, s10  }
0x36: {  	s19 =	sor.u32 $0x40, s18  }
0x37: {  	v1 =	vmov s19;
	_ =	sdelay $0x1  }
0x38: {  	_ =	swait.ge [sflag:s6], $0x4000  }
0x39: {  	[sflag:s6] =	ssyncset.done $0x0  }
0x3a: {  	s20 =	simm.s32 $0x0;
	[sflag:s6] =	ssyncadd.s32 $0xFFFFC000  }
0x3b: {  	s18 =	sor.u32 $0x8070, s18;
	v7 =	vld.idx.msk [tilespmem:v1+s20+$0x30 ss:$0x1], $0xffff  }
0x3c: {  	v0 =	vmov s18;
	v8 =	vld.idx.msk [tilespmem:v1+s20+$0xFFFFFFC0 ss:$0x1], $0xffff  }
0x3d: {  	v6 =	vld.idx.msk [tilespmem:v1+s20+$0xFFFFFFD0 ss:$0x1], $0xffff  }
0x3e: {  	v4 =	vld.idx.msk [tilespmem:v1+s20+$0xFFFFFFE0 ss:$0x1], $0xffff  }
0x3f: {  	v2 =	vld.idx.msk [tilespmem:v1+s20+$0xFFFFFFF0 ss:$0x1], $0xffff  }
0x40: {  	s31 =	sshll.u32 s14, $0xE;
	v3 =	vld.idx.msk [tilespmem:v1+s20+$0x0 ss:$0x1], $0xffff  }
0x41: {  	s18 =	sand.u32 $0x4000, s31;
	v5 =	vld.idx.msk [tilespmem:v1+s20+$0x10 ss:$0x1], $0xffff;
	[tilespmem:v0+s20+$0x0 ss:$0x1] =	vst.idx.msk $0xffff, v7  }
0x42: {  	s21 =	simm.s32 $0x400;
	s19 =	simm.s32 $0x80;
	s18 =	sor.u32 $0x8000, s18;
	[tilespmem:v0+s20+$0xFFFFFF90 ss:$0x1] =	vst.idx.msk $0xffff, v8;
	v7 =	vld.idx.msk [tilespmem:v1+s20+$0x20 ss:$0x1], $0xffff  }
.LBB1_3:
0x43: {  	p0 =	sne.s32 s21, $0xFE00;
	v8 =	vld.idx.msk [tilespmem:v1+s19+$0x30 ss:$0x1], $0xffff;
	[tilespmem:v0+s20+$0xFFFFFFA0 ss:$0x1] =	vst.idx.msk $0xffff, v6  }
0x44: {  	v9 =	vld.idx.msk [tilespmem:v1+s19+$0xFFFFFFC0 ss:$0x1], $0xffff;
	[tilespmem:v0+s20+$0xFFFFFFB0 ss:$0x1] =	vst.idx.msk $0xffff, v4  }
0x45: {  	v6 =	vld.idx.msk [tilespmem:v1+s19+$0xFFFFFFD0 ss:$0x1], $0xffff;
	[tilespmem:v0+s20+$0xFFFFFFC0 ss:$0x1] =	vst.idx.msk $0xffff, v2  }
.Ltmp3:
0x46: {  	v4 =	vld.idx.msk [tilespmem:v1+s19+$0xFFFFFFE0 ss:$0x1], $0xffff;
	[tilespmem:v0+s20+$0xFFFFFFD0 ss:$0x1] =	vst.idx.msk $0xffff, v3;
	(pc) =	sbr.rel @p0 .LBB1_3-.Ltmp3, $4  }
0x47: {  	v2 =	vld.idx.msk [tilespmem:v1+s19+$0xFFFFFFF0 ss:$0x1], $0xffff;
	[tilespmem:v0+s20+$0xFFFFFFE0 ss:$0x1] =	vst.idx.msk $0xffff, v5  }
0x48: {  	v3 =	vld.idx.msk [tilespmem:v1+s19+$0x0 ss:$0x1], $0xffff;
	[tilespmem:v0+s20+$0xFFFFFFF0 ss:$0x1] =	vst.idx.msk $0xffff, v7;
	s20 =	smov.u32 s19  }
0x49: {  	v5 =	vld.idx.msk [tilespmem:v1+s20+$0x10 ss:$0x1], $0xffff;
	[tilespmem:v0+s20+$0x0 ss:$0x1] =	vst.idx.msk $0xffff, v8  }
0x4a: {  	s19 =	sshra.s32 s21, $0x2;
	s21 =	sadd.s32 $0x200, s21;
	[tilespmem:v0+s20+$0xFFFFFF90 ss:$0x1] =	vst.idx.msk $0xffff, v9;
	v7 =	vld.idx.msk [tilespmem:v1+s20+$0x20 ss:$0x1], $0xffff  }
.Ltmp4:
0x4b: {  	_ = 	snop;
	(pc) =	sbr.rel .LBB1_4-.Ltmp4, $1  }
0x4c: {  	_ =	sdelay $0x3  }
.LBB1_6:
0x4d: {  	_ =	sfence.sel $0x180000  }
0x4e: {  	s2 =	simm.s32 $0x1;
	[bflag:$0x0] =	sbarrier.arrive $0xFFFF  }
0x4f: {  	s31 =	simm.s32 $0x2;
	[sflag:s2] =	ssyncpa.u1 $0x1  }
0x50: {  	[sflag:s31] =	ssyncpa.u1 $0x1  }
0x51: {  	p0 =	sne.s32 s0, $0x0;
	_ =	strace $0x90000047  }
0x52: {  	s0 =	sadd.s32 @!p0 $0x100000, s1;
	[bflag:$0x2] =	sbarrier.arrive $0xFFFF  }
0x53: {  	[sflag:s0] =	ssyncadd.tile.s32 @!p0 $0x1;
	_ =	shalt  }
.Lfunc_end1:
_tile_overlayer_lowered:
.L_overlay_start_2:
0x54: {  	(tag) =	ssettag $0x2  }
0x55: {  	s0 =	rddreg [dreg:$0x0];
	s2 =	stileid.u32  }
0x56: {  	s1 =	rddreg [dreg:$0x1];
	p0 =	sne.s32 s2, $0x0  }
0x57: {  	s3 =	rddreg [dreg:$0x2];
	[bflag:$0x3] =	sbarrier.arrive $0xFFFF;
	s2 =	simm.s32 @!p0 $0x1C01  }
0x58: {  	[timem:s3], [sflag:s2] =	dma.local @!p0 [hbm:s0], s1  }
0x59: {  	s0 =	simm.s32 @!p0 $0x1  }
0x5a: {  	_ =	swait.ge @!p0 [sflag:s0], s1  }
0x5b: {  	s1 =	ssub.s32 @!p0 $0x0, s1;
	[sflag:s0] =	ssyncset.done @!p0 $0x0  }
0x5c: {  	[sflag:s0] =	ssyncadd.s32 @!p0 s1  }
0x5d: {  	[bflag:$0x3] =	sbarrier.arrive $0xFFFF  }
0x5e: {  	_ =	shalt  }

</sc_bundles>
